<compile_context>
chip_gen: v7x
topology: tpu7x:2x2x1
jax: 0.10.2.dev20260603
libtpu: 0.0.44.dev20260713+nightly
codegen_flags: <defaults>
</compile_context>

<pallas_src>
import functools

import jax
import jax.numpy as jnp
from jax import lax
from jax.experimental import pallas as pl
from jax.experimental.pallas import tpu as pltpu
from jax.experimental.pallas import tpu_sc as plsc


def _sc_gather_call(word_reps_flat, starts_flat, ends_flat, B, T, D, P):
    info = plsc.get_sparse_core_info()
    nw = info.num_cores * info.num_subcores
    bpw = (B * P) // nw
    mesh = plsc.VectorSubcoreMesh(core_axis_name="c", subcore_axis_name="s")

    @functools.partial(
        pl.kernel,
        mesh=mesh,
        out_type=jax.ShapeDtypeStruct((B * P, 2 * D + 1), jnp.float32),
        scratch_types=[
            pltpu.VMEM((bpw,), jnp.int32),
            pltpu.VMEM((bpw,), jnp.int32),
            pltpu.VMEM((bpw,), jnp.int32),
            pltpu.VMEM((bpw, D), jnp.float32),
            pltpu.SemaphoreType.DMA,
        ],
    )
    def sc_gather(wr_hbm, st_hbm, en_hbm, out_hbm,
                  st_v, en_v, idx_v, rows_v, sem):
        wid = lax.axis_index("s") * info.num_cores + lax.axis_index("c")
        base = wid * bpw
        pltpu.sync_copy(st_hbm.at[pl.ds(base, bpw)], st_v)
        pltpu.sync_copy(en_hbm.at[pl.ds(base, bpw)], en_v)
        for j in range(bpw // 16):
            sl = pl.ds(j * 16, 16)
            e16 = en_v[sl]
            bix = (base + j * 16) // P
            idx_v[sl] = e16 - 1 + bix * T
        pltpu.async_copy(wr_hbm.at[idx_v], rows_v, sem).wait()
        pltpu.sync_copy(rows_v, out_hbm.at[pl.ds(base, bpw), pl.ds(0, D)])

    return sc_gather(word_reps_flat, starts_flat, ends_flat)


def _tsp_block(alias_ref, x_ref, to_ref, w1_ref, b1_ref, v_ref, out_ref,
               w_scr, c_scr):
    del alias_ref
    tt = x_ref.shape[1]
    d = x_ref.shape[2]
    pt = out_ref.shape[1]
    span = tt // pt
    b = pl.program_id(0)
    t = pl.program_id(1)
    g = pl.program_id(2)

    @pl.when((b == 0) & (t == 0) & (g == 0))
    def _():
        w_scr[...] = jnp.dot(w1_ref[...], v_ref[...],
                             preferred_element_type=jnp.float32)
        c_scr[...] = jnp.dot(b1_ref[...], v_ref[...],
                             preferred_element_type=jnp.float32)

    @pl.when(g == 0)
    def _():
        x = x_ref[0]
        alpha = jnp.dot(x, w_scr[...],
                        preferred_element_type=jnp.float32) + c_scr[...]
        a3 = alpha.reshape(pt, span, 1)
        m = jnp.max(a3, axis=1, keepdims=True)
        e = jnp.exp(a3 - m)
        z = jnp.sum(e, axis=1, keepdims=True)
        s3 = e / z
        s_lane = jnp.transpose(s3.reshape(tt, 1))

        t_idx = jax.lax.broadcasted_iota(jnp.int32, (pt, tt), 1)
        p_idx = jax.lax.broadcasted_iota(jnp.int32, (pt, tt), 0)
        in_span = (t_idx // span) == p_idx
        S = jnp.where(in_span, s_lane, 0.0)
        out_ref[0] = jnp.dot(S, x, preferred_element_type=jnp.float32)

    @pl.when(g == 1)
    def _():
        tof = to_ref[0]
        phi = (tof[:, 1:2] - tof[:, 0:1]).astype(jnp.float32)
        out_ref[0, :, 0:1] = phi


def kernel(word_reps, token_offsets, W1, b1, v):
    B, T, D = word_reps.shape
    P = token_offsets.shape[1]
    LIN = W1.shape[1]
    TT = 1024
    PT = TT // (T // P)

    sc_out = _sc_gather_call(word_reps.reshape(B * T, D),
                             token_offsets[:, :, 0].reshape(B * P),
                             token_offsets[:, :, 1].reshape(B * P),
                             B, T, D, P)
    sc_out3 = sc_out.reshape(B, P, 2 * D + 1)

    v2 = v.reshape(LIN, 1)
    b2 = b1.reshape(1, LIN)
    out = pl.pallas_call(
        _tsp_block,
        grid=(B, T // TT, 2),
        in_specs=[
            pl.BlockSpec(memory_space=pl.ANY),
            pl.BlockSpec((1, TT, D), lambda b, t, g: (b, t, 0)),
            pl.BlockSpec((1, PT, 2), lambda b, t, g: (b, t, 0)),
            pl.BlockSpec((D, LIN), lambda b, t, g: (0, 0)),
            pl.BlockSpec((1, LIN), lambda b, t, g: (0, 0)),
            pl.BlockSpec((LIN, 1), lambda b, t, g: (0, 0)),
        ],
        out_specs=pl.BlockSpec((1, PT, D), lambda b, t, g: (b, t, 1 + g)),
        out_shape=jax.ShapeDtypeStruct((B, P, 2 * D + 1), jnp.float32),
        scratch_shapes=[pltpu.VMEM((D, 1), jnp.float32),
                        pltpu.VMEM((1, 1), jnp.float32)],
        input_output_aliases={0: 0},
    )(sc_out3, word_reps, token_offsets, W1, b2, v2)
    prop_lens = jnp.full((B,), P, dtype=jnp.int32)
    return out, prop_lens

# --- scband reference (transcript-rebuilt; emitter-appended) ---
"""Pipeline reference for scband-tsp-82523501626067 (READ-ONLY COPY).

The authoritative reference and input builder live on the scoring server;
editing this copy changes nothing except your own understanding.
"""

import jax, jax.numpy as jnp
import numpy as np

B, T, D, P, LIN = 8, 2048, 1024, 128, 1024


def setup_inputs(seed: int = 0) -> dict:
    key = jax.random.key(seed)
    k1, k2, k3 = jax.random.split(key, 3)
    word_reps = jax.random.normal(k1, (B, T, D), dtype=jnp.float32)
    span_len = T // P
    starts = (jnp.arange(P, dtype=jnp.int32) * span_len)
    token_offsets = jnp.broadcast_to(
        jnp.stack([starts, starts + span_len], axis=-1), (B, P, 2)
    ).astype(jnp.int32)
    W1 = jax.random.normal(k2, (D, LIN), dtype=jnp.float32) * (1.0 / np.sqrt(D))
    b1 = jnp.zeros((LIN,), dtype=jnp.float32)
    v = jax.random.normal(k3, (LIN,), dtype=jnp.float32) * (1.0 / np.sqrt(LIN))
    return {"word_reps": word_reps, "token_offsets": token_offsets, "W1": W1, "b1": b1, "v": v}


def reference(word_reps, token_offsets, W1, b1, v):
    Bb, Tt, Dd = word_reps.shape
    Pp = token_offsets.shape[1]
    # alpha = v(start(word_reps))  -> [B, T]
    alpha = (word_reps @ W1 + b1) @ v
    starts = token_offsets[:, :, 0]
    ends = token_offsets[:, :, 1]
    t = jnp.arange(Tt, dtype=starts.dtype)
    # per-token span id within each doc (spans are sorted, non-overlapping)
    seg = jax.vmap(lambda s: jnp.searchsorted(s, t, side='right'))(starts) - 1
    seg_c = jnp.clip(seg, 0, Pp - 1)
    end_at = jnp.take_along_axis(ends, seg_c, axis=1)
    valid = (seg >= 0) & (t[None, :] < end_at)
    gseg = jnp.where(valid, jnp.arange(Bb)[:, None] * Pp + seg_c, Bb * Pp)
    ns = Bb * Pp + 1
    fseg = gseg.reshape(-1)
    vflat = valid.reshape(-1)
    aflat = alpha.reshape(-1)
    # per-span softmax over the covered tokens (F.softmax on each slice)
    m = jax.ops.segment_max(jnp.where(vflat, aflat, -jnp.inf), fseg, num_segments=ns)
    m = jnp.where(jnp.isfinite(m), m, 0.0)
    e = jnp.where(vflat, jnp.exp(aflat - m[fseg]), 0.0)
    Z = jax.ops.segment_sum(e, fseg, num_segments=ns)
    Zs = jnp.where(Z > 0, Z, 1.0)
    s = e / Zs[fseg]
    # span_rep[i,j] = sum_t s[i,t] * word_reps[i,t] over span j
    span_rep = jax.ops.segment_sum(
        word_reps.reshape(Bb * Tt, Dd) * s[:, None], fseg, num_segments=ns
    )[: Bb * Pp].reshape(Bb, Pp, Dd)
    # span end representations: word_reps[i, end-1]
    span_ends = jnp.take_along_axis(word_reps, (ends - 1)[:, :, None], axis=1)
    phi = (ends - starts).astype(word_reps.dtype)[:, :, None]
    final_span_rep = jnp.concatenate([span_ends, span_rep, phi], axis=-1)
    prop_lens = jnp.full((Bb,), Pp, dtype=jnp.int32)
    return final_span_rep, prop_lens

if __name__ == "__main__":
    import jax
    _d = setup_inputs()
    print(jax.jit(kernel)(*tuple(_d.values())))

</pallas_src>

<mosaic_0001>
#map = affine_map<(d0, d1) -> (0, 0)>
#map1 = affine_map<(d0, d1) -> (0)>
module attributes {stable_mosaic.version = 14 : i64} {
  func.func @sc_gather(%arg0: i32, %arg1: i32, %arg2: memref<16384x1024xf32, #tpu.memory_space<hbm>>, %arg3: memref<1024xi32, #tpu.memory_space<hbm>>, %arg4: memref<1024xi32, #tpu.memory_space<hbm>>, %arg5: memref<1024x2049xf32, #tpu.memory_space<hbm>>, %arg6: memref<32xi32, #tpu.memory_space<vmem>>, %arg7: memref<32xi32, #tpu.memory_space<vmem>>, %arg8: memref<32xi32, #tpu.memory_space<vmem>>, %arg9: memref<32x1024xf32, #tpu.memory_space<vmem>>, %arg10: memref<!tpu.dma_semaphore, #tpu.memory_space<semaphore_mem>>) attributes {dimension_semantics = [#tpu.dimension_semantics<core_parallel>, #tpu.dimension_semantics<subcore_parallel>], iteration_bounds = array<i64: 2, 16>, scalar_prefetch = 0 : i64, scratch_operands = 5 : i64, tpu.core_type = #tpu.core_type<sc_vector_subcore>, window_params = [{transform_indices = #map}, {transform_indices = #map1}, {transform_indices = #map1}, {transform_indices = #map}]} {
    %mul3A = arith.constant 2 : i32
    %mul3A_0 = arith.muli %arg1, %mul3A : i32
    %add3A = arith.addi %mul3A_0, %arg0 : i32
    %mul3A_1 = arith.constant 32 : i32
    %mul3A_2 = arith.muli %add3A, %mul3A_1 : i32
    "tpu.region"() ({
      %run_scoped3A = tpu.sem_alloc : memref<!tpu.dma_semaphore, #tpu.memory_space<semaphore_mem>>
      %dma_start3A_77 = tpu.memref_slice %arg3[%mul3A_2] : memref<1024xi32, #tpu.memory_space<hbm>> -> memref<32xi32, #tpu.memory_space<hbm>>
      %dma_start3A_78 = tpu.memref_slice %arg3[%mul3A_2] : memref<1024xi32, #tpu.memory_space<hbm>> -> memref<32xi32, #tpu.memory_space<hbm>>
      tpu.enqueue_dma source(%dma_start3A_78 : memref<32xi32, #tpu.memory_space<hbm>>) target(%arg6 : memref<32xi32, #tpu.memory_space<vmem>>) target_semaphore(%run_scoped3A : memref<!tpu.dma_semaphore, #tpu.memory_space<semaphore_mem>>)
      %dma_wait3A_79 = tpu.memref_slice %arg3[%mul3A_2] : memref<1024xi32, #tpu.memory_space<hbm>> -> memref<32xi32, #tpu.memory_space<hbm>>
      %dma_wait3A_80 = tpu.memref_slice %arg3[%mul3A_2] : memref<1024xi32, #tpu.memory_space<hbm>> -> memref<32xi32, #tpu.memory_space<hbm>>
      tpu.wait_dma2 semaphore(%run_scoped3A : memref<!tpu.dma_semaphore, #tpu.memory_space<semaphore_mem>>) src(%dma_wait3A_80 : memref<32xi32, #tpu.memory_space<hbm>>) dst(%arg6 : memref<32xi32, #tpu.memory_space<vmem>>)
      tpu.yield
    }) : () -> ()
    "tpu.region"() ({
      %run_scoped3A = tpu.sem_alloc : memref<!tpu.dma_semaphore, #tpu.memory_space<semaphore_mem>>
      %dma_start3A_77 = tpu.memref_slice %arg4[%mul3A_2] : memref<1024xi32, #tpu.memory_space<hbm>> -> memref<32xi32, #tpu.memory_space<hbm>>
      %dma_start3A_78 = tpu.memref_slice %arg4[%mul3A_2] : memref<1024xi32, #tpu.memory_space<hbm>> -> memref<32xi32, #tpu.memory_space<hbm>>
      tpu.enqueue_dma source(%dma_start3A_78 : memref<32xi32, #tpu.memory_space<hbm>>) target(%arg7 : memref<32xi32, #tpu.memory_space<vmem>>) target_semaphore(%run_scoped3A : memref<!tpu.dma_semaphore, #tpu.memory_space<semaphore_mem>>)
      %dma_wait3A_79 = tpu.memref_slice %arg4[%mul3A_2] : memref<1024xi32, #tpu.memory_space<hbm>> -> memref<32xi32, #tpu.memory_space<hbm>>
      %dma_wait3A_80 = tpu.memref_slice %arg4[%mul3A_2] : memref<1024xi32, #tpu.memory_space<hbm>> -> memref<32xi32, #tpu.memory_space<hbm>>
      tpu.wait_dma2 semaphore(%run_scoped3A : memref<!tpu.dma_semaphore, #tpu.memory_space<semaphore_mem>>) src(%dma_wait3A_80 : memref<32xi32, #tpu.memory_space<hbm>>) dst(%arg7 : memref<32xi32, #tpu.memory_space<vmem>>)
      tpu.yield
    }) : () -> ()
    %get3A = arith.constant 0 : index
    %get3A_3 = tpu.vector_load %arg7[%get3A] {strides = array<i32>} : memref<32xi32, #tpu.memory_space<vmem>>, vector<16xi32>,
    %get3A_4 = vector.shape_cast %get3A_3 : vector<16xi32> to vector<16xi32>
    %add3A_5 = arith.constant 0 : i32
    %add3A_6 = arith.addi %mul3A_2, %add3A_5 : i32
    %jit3A = arith.constant 128 : i32
    %div3A = arith.divsi %add3A_6, %jit3A : i32
    %sign3A = arith.constant 0 : i32
    %sign3A_7 = arith.cmpi sgt, %add3A_6, %sign3A : i32
    %sign3A_8 = arith.extui %sign3A_7 : i1 to i32
    %sign3A_9 = arith.constant 0 : i32
    %sign3A_10 = arith.cmpi slt, %add3A_6, %sign3A_9 : i32
    %sign3A_11 = arith.extui %sign3A_10 : i1 to i32
    %sign3A_12 = arith.subi %sign3A_8, %sign3A_11 : i32
    %sign3A_13 = arith.constant 0 : i32
    %sign3A_14 = arith.cmpi sgt, %jit3A, %sign3A_13 : i32
    %sign3A_15 = arith.extui %sign3A_14 : i1 to i32
    %sign3A_16 = arith.constant 0 : i32
    %sign3A_17 = arith.cmpi slt, %jit3A, %sign3A_16 : i32
    %sign3A_18 = arith.extui %sign3A_17 : i1 to i32
    %sign3A_19 = arith.subi %sign3A_15, %sign3A_18 : i32
    %ne3A = arith.cmpi ne, %sign3A_12, %sign3A_19 : i32
    %rem3A = arith.remsi %add3A_6, %jit3A : i32
    %ne3A_20 = arith.constant 0 : i32
    %ne3A_21 = arith.cmpi ne, %rem3A, %ne3A_20 : i32
    %and3A = arith.andi %ne3A, %ne3A_21 : i1
    %sub3A = arith.constant 1 : i32
    %sub3A_22 = arith.subi %div3A, %sub3A : i32
    %select_n3A = arith.select %and3A, %sub3A_22, %div3A : i32
    %sub3A_23 = arith.constant 1 : i32
    %sub3A_24 = vector.broadcast %sub3A_23 : i32 to vector<16xi32>
    %sub3A_25 = arith.subi %get3A_4, %sub3A_24 : vector<16xi32>
    %mul3A_26 = arith.constant 2048 : i32
    %mul3A_27 = arith.muli %select_n3A, %mul3A_26 : i32
    %add3A_28 = vector.broadcast %mul3A_27 : i32 to vector<16xi32>
    %add3A_29 = arith.addi %sub3A_25, %add3A_28 : vector<16xi32>
    %swap3A = arith.constant 0 : index
    %swap3A_30 = tpu.vector_load %arg8[%swap3A] {strides = array<i32>} : memref<32xi32, #tpu.memory_space<vmem>>, vector<16xi32>,
    %swap3A_31 = vector.shape_cast %swap3A_30 : vector<16xi32> to vector<16xi32>
    %swap3A_32 = vector.shape_cast %add3A_29 : vector<16xi32> to vector<16xi32>
    tpu.vector_store %arg8[%swap3A], %swap3A_32 {strides = array<i32>} : memref<32xi32, #tpu.memory_space<vmem>>, vector<16xi32>,
    %get3A_33 = arith.constant 16 : index
    %get3A_34 = tpu.vector_load %arg7[%get3A_33] {strides = array<i32>} : memref<32xi32, #tpu.memory_space<vmem>>, vector<16xi32>,
    %get3A_35 = vector.shape_cast %get3A_34 : vector<16xi32> to vector<16xi32>
    %add3A_36 = arith.constant 16 : i32
    %add3A_37 = arith.addi %mul3A_2, %add3A_36 : i32
    %jit3A_38 = arith.constant 128 : i32
    %div3A_39 = arith.divsi %add3A_37, %jit3A_38 : i32
    %sign3A_40 = arith.constant 0 : i32
    %sign3A_41 = arith.cmpi sgt, %add3A_37, %sign3A_40 : i32
    %sign3A_42 = arith.extui %sign3A_41 : i1 to i32
    %sign3A_43 = arith.constant 0 : i32
    %sign3A_44 = arith.cmpi slt, %add3A_37, %sign3A_43 : i32
    %sign3A_45 = arith.extui %sign3A_44 : i1 to i32
    %sign3A_46 = arith.subi %sign3A_42, %sign3A_45 : i32
    %sign3A_47 = arith.constant 0 : i32
    %sign3A_48 = arith.cmpi sgt, %jit3A_38, %sign3A_47 : i32
    %sign3A_49 = arith.extui %sign3A_48 : i1 to i32
    %sign3A_50 = arith.constant 0 : i32
    %sign3A_51 = arith.cmpi slt, %jit3A_38, %sign3A_50 : i32
    %sign3A_52 = arith.extui %sign3A_51 : i1 to i32
    %sign3A_53 = arith.subi %sign3A_49, %sign3A_52 : i32
    %ne3A_54 = arith.cmpi ne, %sign3A_46, %sign3A_53 : i32
    %rem3A_55 = arith.remsi %add3A_37, %jit3A_38 : i32
    %ne3A_56 = arith.constant 0 : i32
    %ne3A_57 = arith.cmpi ne, %rem3A_55, %ne3A_56 : i32
    %and3A_58 = arith.andi %ne3A_54, %ne3A_57 : i1
    %sub3A_59 = arith.constant 1 : i32
    %sub3A_60 = arith.subi %div3A_39, %sub3A_59 : i32
    %select_n3A_61 = arith.select %and3A_58, %sub3A_60, %div3A_39 : i32
    %sub3A_62 = arith.constant 1 : i32
    %sub3A_63 = vector.broadcast %sub3A_62 : i32 to vector<16xi32>
    %sub3A_64 = arith.subi %get3A_35, %sub3A_63 : vector<16xi32>
    %mul3A_65 = arith.constant 2048 : i32
    %mul3A_66 = arith.muli %select_n3A_61, %mul3A_65 : i32
    %add3A_67 = vector.broadcast %mul3A_66 : i32 to vector<16xi32>
    %add3A_68 = arith.addi %sub3A_64, %add3A_67 : vector<16xi32>
    %swap3A_69 = arith.constant 16 : index
    %swap3A_70 = tpu.vector_load %arg8[%swap3A_69] {strides = array<i32>} : memref<32xi32, #tpu.memory_space<vmem>>, vector<16xi32>,
    %swap3A_71 = vector.shape_cast %swap3A_70 : vector<16xi32> to vector<16xi32>
    %swap3A_72 = vector.shape_cast %add3A_68 : vector<16xi32> to vector<16xi32>
    tpu.vector_store %arg8[%swap3A_69], %swap3A_72 {strides = array<i32>} : memref<32xi32, #tpu.memory_space<vmem>>, vector<16xi32>,
    %dma_start3A = arith.constant 0 : i32
    %dma_start3A_73 = arith.constant 0 : i32
    %dma_start3A_74 = tpu.memref_slice %arg2[%dma_start3A, %dma_start3A_73] : memref<16384x1024xf32, #tpu.memory_space<hbm>> -> memref<16384x1024xf32, #tpu.memory_space<hbm>>
    tpu.enqueue_indirect_dma source(%dma_start3A_74 : memref<16384x1024xf32, #tpu.memory_space<hbm>>) target(%arg9 : memref<32x1024xf32, #tpu.memory_space<vmem>>) offsets(%arg8 : memref<32xi32, #tpu.memory_space<vmem>>) semaphore(%arg10 : memref<!tpu.dma_semaphore, #tpu.memory_space<semaphore_mem>>)
    %dma_wait3A = arith.constant 0 : i32
    %dma_wait3A_75 = arith.constant 0 : i32
    %dma_wait3A_76 = tpu.memref_slice %arg2[%dma_wait3A, %dma_wait3A_75] : memref<16384x1024xf32, #tpu.memory_space<hbm>> -> memref<16384x1024xf32, #tpu.memory_space<hbm>>
    tpu.wait_indirect_dma semaphore(%arg10 : memref<!tpu.dma_semaphore, #tpu.memory_space<semaphore_mem>>) src(%dma_wait3A_76 : memref<16384x1024xf32, #tpu.memory_space<hbm>>) dst(%arg9 : memref<32x1024xf32, #tpu.memory_space<vmem>>)
    "tpu.region"() ({
      %run_scoped3A = tpu.sem_alloc : memref<!tpu.dma_semaphore, #tpu.memory_space<semaphore_mem>>
      %dma_start3A_77 = arith.constant 0 : i32
      %dma_start3A_78 = tpu.memref_slice %arg5[%mul3A_2, %dma_start3A_77] : memref<1024x2049xf32, #tpu.memory_space<hbm>> -> memref<32x1024xf32, #tpu.memory_space<hbm>>
      %dma_start3A_79 = arith.constant 0 : i32
      %dma_start3A_80 = tpu.memref_slice %arg5[%mul3A_2, %dma_start3A_79] : memref<1024x2049xf32, #tpu.memory_space<hbm>> -> memref<32x1024xf32, #tpu.memory_space<hbm>>
      tpu.enqueue_dma source(%arg9 : memref<32x1024xf32, #tpu.memory_space<vmem>>) target(%dma_start3A_80 : memref<32x1024xf32, #tpu.memory_space<hbm>>) target_semaphore(%run_scoped3A : memref<!tpu.dma_semaphore, #tpu.memory_space<semaphore_mem>>)
      %dma_wait3A_81 = arith.constant 0 : i32
      %dma_wait3A_82 = tpu.memref_slice %arg5[%mul3A_2, %dma_wait3A_81] : memref<1024x2049xf32, #tpu.memory_space<hbm>> -> memref<32x1024xf32, #tpu.memory_space<hbm>>
      %dma_wait3A_83 = arith.constant 0 : i32
      %dma_wait3A_84 = tpu.memref_slice %arg5[%mul3A_2, %dma_wait3A_83] : memref<1024x2049xf32, #tpu.memory_space<hbm>> -> memref<32x1024xf32, #tpu.memory_space<hbm>>
      tpu.wait_dma2 semaphore(%run_scoped3A : memref<!tpu.dma_semaphore, #tpu.memory_space<semaphore_mem>>) src(%arg9 : memref<32x1024xf32, #tpu.memory_space<vmem>>) dst(%dma_wait3A_84 : memref<32x1024xf32, #tpu.memory_space<hbm>>)
      tpu.yield
    }) : () -> ()
    return
  }
}

module attributes {stable_mosaic.version = 14 : i64} {
  func.func @_tsp_block(%arg0: i32, %arg1: i32, %arg2: i32, %arg3: memref<8x128x2049xf32, #tpu.memory_space<any>>, %arg4: memref<1x1024x1024xf32, #tpu.memory_space<vmem>>, %arg5: memref<1x64x2xi32, #tpu.memory_space<vmem>>, %arg6: memref<1024x1024xf32, #tpu.memory_space<vmem>>, %arg7: memref<1x1024xf32, #tpu.memory_space<vmem>>, %arg8: memref<1024x1xf32, #tpu.memory_space<vmem>>, %arg9: memref<1x64x1024xf32, #tpu.memory_space<vmem>>, %arg10: memref<1024x1xf32, #tpu.memory_space<vmem>>, %arg11: memref<1x1xf32, #tpu.memory_space<vmem>>) attributes {dimension_semantics = [#tpu.dimension_semantics<arbitrary>, #tpu.dimension_semantics<arbitrary>, #tpu.dimension_semantics<arbitrary>], iteration_bounds = array<i64: 8, 2, 2>, scalar_prefetch = 0 : i64, scratch_operands = 2 : i64, tpu.core_type = #tpu.core_type<tc>, window_params = [{}, {transform_indices = @transform_1, window_bounds = array<i64: 1, 1024, 1024>}, {transform_indices = @transform_2, window_bounds = array<i64: 1, 64, 2>}, {pipeline_mode = #tpu.pipeline_mode<synchronous>, transform_indices = @transform_3, window_bounds = array<i64: 1024, 1024>}, {pipeline_mode = #tpu.pipeline_mode<synchronous>, transform_indices = @transform_4, window_bounds = array<i64: 1, 1024>}, {pipeline_mode = #tpu.pipeline_mode<synchronous>, transform_indices = @transform_5, window_bounds = array<i64: 1024, 1>}, {transform_indices = @transform_6, window_bounds = array<i64: 1, 64, 1024>}]} {
    %eq3A = arith.constant 0 : i32
    %eq3A_0 = arith.cmpi eq, %arg0, %eq3A : i32
    %eq3A_1 = arith.constant 0 : i32
    %eq3A_2 = arith.cmpi eq, %arg1, %eq3A_1 : i32
    %and3A = arith.andi %eq3A_0, %eq3A_2 : i1
    %eq3A_3 = arith.constant 0 : i32
    %eq3A_4 = arith.cmpi eq, %arg2, %eq3A_3 : i32
    %and3A_5 = arith.andi %and3A, %eq3A_4 : i1
    %convert_element_type3A = arith.extui %and3A_5 : i1 to i32
    %cond3A = arith.constant 0 : i32
    %cond3A_6 = arith.cmpi ne, %convert_element_type3A, %cond3A : i32
    scf.if %cond3A_6 {
      %get3A = arith.constant 0 : index
      %get3A_17 = arith.constant 0 : index
      %get3A_18 = vector.load %arg6[%get3A, %get3A_17] : memref<1024x1024xf32, #tpu.memory_space<vmem>>, vector<1024x1024xf32>
      %get3A_19 = arith.constant 0 : index
      %get3A_20 = arith.constant 0 : index
      %get3A_21 = vector.load %arg8[%get3A_19, %get3A_20] : memref<1024x1xf32, #tpu.memory_space<vmem>>, vector<1024x1xf32>
      %dot_general3A = arith.constant dense<0.000000e+00> : vector<1024x1xf32>
      %dot_general3A_22 = tpu.matmul %get3A_18, %get3A_21, %dot_general3A {dimension_numbers = #tpu.dot_dimension_numbers<[1], [0], [0], [1], [0, 0, 1, 1], [], []>, transpose_lhs_hint = false} : vector<1024x1024xf32>, vector<1024x1xf32>, vector<1024x1xf32> -> vector<1024x1xf32>
      %swap3A = arith.constant 0 : index
      %swap3A_23 = arith.constant 0 : index
      %swap3A_24 = vector.load %arg10[%swap3A, %swap3A_23] : memref<1024x1xf32, #tpu.memory_space<vmem>>, vector<1024x1xf32>
      tpu.vector_store %arg10[%swap3A, %swap3A_23], %dot_general3A_22 {strides = array<i32>} : memref<1024x1xf32, #tpu.memory_space<vmem>>, vector<1024x1xf32>,
      %get3A_25 = arith.constant 0 : index
      %get3A_26 = arith.constant 0 : index
      %get3A_27 = vector.load %arg7[%get3A_25, %get3A_26] : memref<1x1024xf32, #tpu.memory_space<vmem>>, vector<1x1024xf32>
      %get3A_28 = arith.constant 0 : index
      %get3A_29 = arith.constant 0 : index
      %get3A_30 = vector.load %arg8[%get3A_28, %get3A_29] : memref<1024x1xf32, #tpu.memory_space<vmem>>, vector<1024x1xf32>
      %dot_general3A_31 = arith.constant dense<0.000000e+00> : vector<1x1xf32>
      %dot_general3A_32 = tpu.matmul %get3A_27, %get3A_30, %dot_general3A_31 {dimension_numbers = #tpu.dot_dimension_numbers<[1], [0], [0], [1], [0, 0, 1, 1], [], []>, transpose_lhs_hint = false} : vector<1x1024xf32>, vector<1024x1xf32>, vector<1x1xf32> -> vector<1x1xf32>
      %swap3A_33 = arith.constant 0 : index
      %swap3A_34 = arith.constant 0 : index
      %swap3A_35 = vector.load %arg11[%swap3A_33, %swap3A_34] : memref<1x1xf32, #tpu.memory_space<vmem>>, vector<1x1xf32>
      tpu.vector_store %arg11[%swap3A_33, %swap3A_34], %dot_general3A_32 {strides = array<i32>} : memref<1x1xf32, #tpu.memory_space<vmem>>, vector<1x1xf32>,
    } else {
    }
    %eq3A_7 = arith.constant 0 : i32
    %eq3A_8 = arith.cmpi eq, %arg2, %eq3A_7 : i32
    %convert_element_type3A_9 = arith.extui %eq3A_8 : i1 to i32
    %cond3A_10 = arith.constant 0 : i32
    %cond3A_11 = arith.cmpi ne, %convert_element_type3A_9, %cond3A_10 : i32
    scf.if %cond3A_11 {
      %get3A = arith.constant 0 : index
      %get3A_17 = arith.constant 0 : index
      %get3A_18 = arith.constant 0 : index
      %get3A_19 = vector.load %arg4[%get3A, %get3A_17, %get3A_18] : memref<1x1024x1024xf32, #tpu.memory_space<vmem>>, vector<1x1024x1024xf32>
      %get3A_20 = vector.shape_cast %get3A_19 : vector<1x1024x1024xf32> to vector<1024x1024xf32>
      %get3A_21 = arith.constant 0 : index
      %get3A_22 = arith.constant 0 : index
      %get3A_23 = vector.load %arg10[%get3A_21, %get3A_22] : memref<1024x1xf32, #tpu.memory_space<vmem>>, vector<1024x1xf32>
      %dot_general3A = arith.constant dense<0.000000e+00> : vector<1024x1xf32>
      %dot_general3A_24 = tpu.matmul %get3A_20, %get3A_23, %dot_general3A {dimension_numbers = #tpu.dot_dimension_numbers<[1], [0], [0], [1], [0, 0, 1, 1], [], []>, transpose_lhs_hint = false} : vector<1024x1024xf32>, vector<1024x1xf32>, vector<1024x1xf32> -> vector<1024x1xf32>
      %get3A_25 = arith.constant 0 : index
      %get3A_26 = arith.constant 0 : index
      %get3A_27 = vector.load %arg11[%get3A_25, %get3A_26] : memref<1x1xf32, #tpu.memory_space<vmem>>, vector<1x1xf32>
      %add3A = vector.broadcast %get3A_27 : vector<1x1xf32> to vector<1024x1xf32>
      %add3A_28 = arith.addf %dot_general3A_24, %add3A : vector<1024x1xf32>
      %reshape3A = vector.shape_cast %add3A_28 : vector<1024x1xf32> to vector<64x16x1xf32>
      %reduce_max3A = arith.constant dense<0xFF800000> : vector<64x1xf32>
      %reduce_max3A_29 = vector.multi_reduction <maximumf>, %reshape3A, %reduce_max3A [1] : vector<64x16x1xf32> to vector<64x1xf32>
      %broadcast_in_dim3A = vector.shape_cast %reduce_max3A_29 : vector<64x1xf32> to vector<64x1x1xf32>
      %sub3A = vector.broadcast %broadcast_in_dim3A : vector<64x1x1xf32> to vector<64x16x1xf32>
      %sub3A_30 = arith.subf %reshape3A, %sub3A : vector<64x16x1xf32>
      %exp3A = math.exp %sub3A_30 : vector<64x16x1xf32>
      %reduce_sum3A = arith.constant dense<0.000000e+00> : vector<64x1xf32>
      %reduce_sum3A_31 = vector.multi_reduction <add>, %exp3A, %reduce_sum3A [1] : vector<64x16x1xf32> to vector<64x1xf32>
      %broadcast_in_dim3A_32 = vector.shape_cast %reduce_sum3A_31 : vector<64x1xf32> to vector<64x1x1xf32>
      %div3A = vector.broadcast %broadcast_in_dim3A_32 : vector<64x1x1xf32> to vector<64x16x1xf32>
      %div3A_33 = arith.divf %exp3A, %div3A : vector<64x16x1xf32>
      %reshape3A_34 = vector.shape_cast %div3A_33 : vector<64x16x1xf32> to vector<1024x1xf32>
      %transpose3A = tpu.transpose %reshape3A_34, [1, 0] : vector<1024x1xf32> -> vector<1x1024xf32>
      %iota3A = tpu.iota {dimensions = array<i32: 1>} : vector<64x1024xi32>
      %iota3A_35 = tpu.iota {dimensions = array<i32: 0>} : vector<64x1024xi32>
      %jit3A = arith.constant 16 : i32
      %div3A_36 = vector.broadcast %jit3A : i32 to vector<64x1024xi32>
      %div3A_37 = arith.divsi %iota3A, %div3A_36 : vector<64x1024xi32>
      %sign3A = arith.constant 0 : i32
      %sign3A_38 = vector.broadcast %sign3A : i32 to vector<64x1024xi32>
      %sign3A_39 = arith.cmpi sgt, %iota3A, %sign3A_38 : vector<64x1024xi32>
      %sign3A_40 = arith.extui %sign3A_39 : vector<64x1024xi1> to vector<64x1024xi32>
      %sign3A_41 = arith.constant 0 : i32
      %sign3A_42 = vector.broadcast %sign3A_41 : i32 to vector<64x1024xi32>
      %sign3A_43 = arith.cmpi slt, %iota3A, %sign3A_42 : vector<64x1024xi32>
      %sign3A_44 = arith.extui %sign3A_43 : vector<64x1024xi1> to vector<64x1024xi32>
      %sign3A_45 = arith.subi %sign3A_40, %sign3A_44 : vector<64x1024xi32>
      %sign3A_46 = arith.constant 0 : i32
      %sign3A_47 = arith.cmpi sgt, %jit3A, %sign3A_46 : i32
      %sign3A_48 = arith.extui %sign3A_47 : i1 to i32
      %sign3A_49 = arith.constant 0 : i32
      %sign3A_50 = arith.cmpi slt, %jit3A, %sign3A_49 : i32
      %sign3A_51 = arith.extui %sign3A_50 : i1 to i32
      %sign3A_52 = arith.subi %sign3A_48, %sign3A_51 : i32
      %ne3A = vector.broadcast %sign3A_52 : i32 to vector<64x1024xi32>
      %ne3A_53 = arith.cmpi ne, %sign3A_45, %ne3A : vector<64x1024xi32>
      %rem3A = vector.broadcast %jit3A : i32 to vector<64x1024xi32>
      %rem3A_54 = arith.remsi %iota3A, %rem3A : vector<64x1024xi32>
      %ne3A_55 = arith.constant 0 : i32
      %ne3A_56 = vector.broadcast %ne3A_55 : i32 to vector<64x1024xi32>
      %ne3A_57 = arith.cmpi ne, %rem3A_54, %ne3A_56 : vector<64x1024xi32>
      %and3A_58 = arith.andi %ne3A_53, %ne3A_57 : vector<64x1024xi1>
      %sub3A_59 = arith.constant 1 : i32
      %sub3A_60 = vector.broadcast %sub3A_59 : i32 to vector<64x1024xi32>
      %sub3A_61 = arith.subi %div3A_37, %sub3A_60 : vector<64x1024xi32>
      %select_n3A = arith.select %and3A_58, %sub3A_61, %div3A_37 : vector<64x1024xi1>, vector<64x1024xi32>
      %eq3A_62 = arith.cmpi eq, %select_n3A, %iota3A_35 : vector<64x1024xi32>
      %jit3A_63 = arith.constant 0.000000e+00 : f32
      %broadcast_in_dim3A_64 = vector.shape_cast %transpose3A : vector<1x1024xf32> to vector<1x1024xf32>
      %broadcast_in_dim3A_65 = vector.broadcast %broadcast_in_dim3A_64 : vector<1x1024xf32> to vector<64x1024xf32>
      %broadcast_in_dim3A_66 = vector.broadcast %jit3A_63 : f32 to vector<64x1024xf32>
      %select_n3A_67 = arith.select %eq3A_62, %broadcast_in_dim3A_65, %broadcast_in_dim3A_66 : vector<64x1024xi1>, vector<64x1024xf32>
      %dot_general3A_68 = arith.constant dense<0.000000e+00> : vector<64x1024xf32>
      %dot_general3A_69 = tpu.matmul %select_n3A_67, %get3A_20, %dot_general3A_68 {dimension_numbers = #tpu.dot_dimension_numbers<[1], [0], [0], [1], [0, 0, 1, 1], [], []>, transpose_lhs_hint = false} : vector<64x1024xf32>, vector<1024x1024xf32>, vector<64x1024xf32> -> vector<64x1024xf32>
      %swap3A = arith.constant 0 : index
      %swap3A_70 = arith.constant 0 : index
      %swap3A_71 = arith.constant 0 : index
      %swap3A_72 = vector.load %arg9[%swap3A, %swap3A_70, %swap3A_71] : memref<1x64x1024xf32, #tpu.memory_space<vmem>>, vector<1x64x1024xf32>
      %swap3A_73 = vector.shape_cast %swap3A_72 : vector<1x64x1024xf32> to vector<64x1024xf32>
      %swap3A_74 = vector.shape_cast %dot_general3A_69 : vector<64x1024xf32> to vector<1x64x1024xf32>
      tpu.vector_store %arg9[%swap3A, %swap3A_70, %swap3A_71], %swap3A_74 {strides = array<i32>} : memref<1x64x1024xf32, #tpu.memory_space<vmem>>, vector<1x64x1024xf32>,
    } else {
    }
    %eq3A_12 = arith.constant 1 : i32
    %eq3A_13 = arith.cmpi eq, %arg2, %eq3A_12 : i32
    %convert_element_type3A_14 = arith.extui %eq3A_13 : i1 to i32
    %cond3A_15 = arith.constant 0 : i32
    %cond3A_16 = arith.cmpi ne, %convert_element_type3A_14, %cond3A_15 : i32
    scf.if %cond3A_16 {
      %get3A = arith.constant 0 : index
      %get3A_17 = arith.constant 0 : index
      %get3A_18 = arith.constant 0 : index
      %get3A_19 = vector.load %arg5[%get3A, %get3A_17, %get3A_18] : memref<1x64x2xi32, #tpu.memory_space<vmem>>, vector<1x64x2xi32>
      %get3A_20 = vector.shape_cast %get3A_19 : vector<1x64x2xi32> to vector<64x2xi32>
      %slice3A = vector.extract_strided_slice %get3A_20 {offsets = [0, 1], sizes = [64, 1], strides = [1, 1]} : vector<64x2xi32> to vector<64x1xi32>
      %slice3A_21 = vector.extract_strided_slice %get3A_20 {offsets = [0, 0], sizes = [64, 1], strides = [1, 1]} : vector<64x2xi32> to vector<64x1xi32>
      %sub3A = arith.subi %slice3A, %slice3A_21 : vector<64x1xi32>
      %convert_element_type3A_22 = arith.sitofp %sub3A : vector<64x1xi32> to vector<64x1xf32>
      %swap3A = arith.constant 0 : index
      %swap3A_23 = arith.constant 0 : index
      %swap3A_24 = arith.constant 0 : index
      %swap3A_25 = vector.load %arg9[%swap3A, %swap3A_23, %swap3A_24] : memref<1x64x1024xf32, #tpu.memory_space<vmem>>, vector<1x64x1xf32>
      %swap3A_26 = vector.shape_cast %swap3A_25 : vector<1x64x1xf32> to vector<64x1xf32>
      %swap3A_27 = vector.shape_cast %convert_element_type3A_22 : vector<64x1xf32> to vector<1x64x1xf32>
      tpu.vector_store %arg9[%swap3A, %swap3A_23, %swap3A_24], %swap3A_27 {strides = array<i32>} : memref<1x64x1024xf32, #tpu.memory_space<vmem>>, vector<1x64x1xf32>,
    } else {
    }
    return
  }
  func.func @transform_1(%arg0: i32, %arg1: i32, %arg2: i32) -> (i32, i32, i32) {
    %c0_i32 = arith.constant 0 : i32
    %c0_i32_0 = arith.constant 0 : i32
    return %arg0, %arg1, %c0_i32 : i32, i32, i32
  }
  func.func @transform_2(%arg0: i32, %arg1: i32, %arg2: i32) -> (i32, i32, i32) {
    %c0_i32 = arith.constant 0 : i32
    %c0_i32_0 = arith.constant 0 : i32
    return %arg0, %arg1, %c0_i32 : i32, i32, i32
  }
  func.func @transform_3(%arg0: i32, %arg1: i32, %arg2: i32) -> (i32, i32) {
    %c0_i32 = arith.constant 0 : i32
    %c0_i32_0 = arith.constant 0 : i32
    %c0_i32_1 = arith.constant 0 : i32
    return %c0_i32, %c0_i32_0 : i32, i32
  }
  func.func @transform_4(%arg0: i32, %arg1: i32, %arg2: i32) -> (i32, i32) {
    %c0_i32 = arith.constant 0 : i32
    %c0_i32_0 = arith.constant 0 : i32
    %c0_i32_1 = arith.constant 0 : i32
    return %c0_i32, %c0_i32_0 : i32, i32
  }
  func.func @transform_5(%arg0: i32, %arg1: i32, %arg2: i32) -> (i32, i32) {
    %c0_i32 = arith.constant 0 : i32
    %c0_i32_0 = arith.constant 0 : i32
    %c0_i32_1 = arith.constant 0 : i32
    return %c0_i32, %c0_i32_0 : i32, i32
  }
  func.func @transform_6(%arg0: i32, %arg1: i32, %arg2: i32) -> (i32, i32, i32) {
    %add3A = arith.constant 1 : i32
    %add3A_0 = arith.addi %add3A, %arg2 : i32
    %c0_i32 = arith.constant 0 : i32
    return %arg0, %arg1, %add3A_0 : i32, i32, i32
  }
}

</mosaic_0001>

<sc_bundles>
// kernel: kernel.4.cloned.1.call-start
scs
__scs_entry_jumppad:
0x0: {  	(pc) =	sbr.rel $0x88, $3  }
0x1: {  	(tag) =	ssettag $0x0;
	lr =	simm.s32 $0x1  }
0x2: {  	[smem:$0x3F9C] =	sst lr;
	_ =	strace $0xD0000000  }
0x3: {  	_ = 	snop  }
0x4: {  	_ = 	snop  }
0x5: {  	_ = 	snop  }
0x6: {  	_ = 	snop  }
0x7: {  	_ = 	snop  }
__scs_overlays_trampoline_lowered:
0x8: {  	[smem:$0x3FAB] =	sst s0  }
0x9: {  	[smem:$0x3FAC] =	sst s1  }
0xa: {  	[smem:$0x3FAD] =	sst s2  }
0xb: {  	[smem:$0x3FAE] =	sst s3  }
0xc: {  	[smem:$0x3FAF] =	sst s4  }
0xd: {  	[smem:$0x3FB0] =	sst s5  }
0xe: {  	[smem:$0x3FB1] =	sst s6  }
0xf: {  	[smem:$0x3FB2] =	sst s7  }
0x10: {  	[smem:$0x3FB3] =	sst s8  }
0x11: {  	[smem:$0x3FB4] =	sst s9;
	s0 =	simm.s32 @!p0 $0x0  }
0x12: {  	s1 =	sld [smem:$0x3F9A];
	s0 =	simm.s32 @p0 $0x1  }
0x13: {  	[smem:$0x3FB5] =	sst s0;
	s0 =	simm.s32 @!p1 $0x0  }
0x14: {  	s2 =	sld [smem:$0x3F99];
	s0 =	simm.s32 @p1 $0x1  }
0x15: {  	[smem:$0x3FB6] =	sst s0;
	s0 =	simm.s32 @!p2 $0x0  }
0x16: {  	s3 =	sld [smem:$0x3FDB];
	s0 =	simm.s32 @p2 $0x1  }
0x17: {  	s4 =	simm.s32 $0x1BF5;
	[smem:$0x3FB8] =	sst s0  }
0x18: {  	s0 =	sld [smem:$0x3F9B];
	_ =	swait.ge [sflag:s4], $0x0  }
0x19: {  	s7 =	sld [smem:$0x3F9C]  }
0x1a: {  	s8 =	sadd.s32 $0xFFFFE003, lr  }
0x1b: {  	s9 =	sadd.s32 $0xFFFFFEF7, lr;
	s5 =	simm.s32 $0xFFFFFFFF;
	p2 =	slt.u32 s8, $0xFFFFF086  }
0x1c: {  	p1 =	slt.u32 s9, $0xF7A;
	s5 =	simm.s32 @!p2 $0x0  }
0x1d: {  	s5 =	simm.s32 @p1 $0x1;
	p0 =	seq.s32 s7, s2  }
0x1e: {  	s7 =	smul.u32 @!p0 $0xF7A, s2;
	p2 =	seq.s32 @!p0 s5, $0x0  }
0x1f: {  	s9 =	smul.u32 $0xF7A, s1;
	s8 =	simm.s32 @!p0 $0x1BF5;
	p2 =	por !p2, p0  }
0x20: {  	[sflag:s8] =	ssyncset.s32 @!p0 $0xFFFFF086;
	s6 =	sadd.s32 @!p0 s3, s7;
	s7 =	simm.s32 @!p0 $0x108  }
0x21: {  	s3 =	sadd.s32 s3, s9;
	s6 =	sadd.s32 @!p0 $0x88, s6;
	s7 =	simm.s32 @p2 $0x1082  }
0x22: {  	[simem:s7], [sflag:s8] =	dma.local @!p0 [hbm:s6], $0xF7A  }
0x23: {  	s9 =	sor.u32 $0xD0000000, s2;
	s6 =	simm.s32 $0x108;
	_ =	swait.ge @!p0 [sflag:s8], $0x0  }
0x24: {  	s3 =	sadd.s32 $0x88, s3;
	s6 =	simm.s32 @!p1 $0x1082;
	[sflag:s4] =	ssyncset.s32 $0xFFFFF086  }
0x25: {  	[simem:s6], [sflag:s4] =	dma.local [hbm:s3], $0xF7A  }
0x26: {  	[smem:$0x3F9C] =	sst s1;
	(tag) =	ssettag s2;
	_ =	strace s9  }
0x27: {  	s1 =	sld [smem:$0x3FAC]  }
0x28: {  	s2 =	sld [smem:$0x3FAD]  }
0x29: {  	s4 =	sld [smem:$0x3FAF]  }
0x2a: {  	p0 =	seq.s32 s5, $0x0;
	s5 =	sld [smem:$0x3FB0]  }
0x2b: {  	s6 =	sld [smem:$0x3FB1]  }
0x2c: {  	s7 =	sld [smem:$0x3FB2]  }
0x2d: {  	s3 =	simm.s32 $0x108;
	s8 =	sld [smem:$0x3FB3]  }
0x2e: {  	s3 =	simm.s32 @!p0 $0x1082;
	s9 =	sld [smem:$0x3FB4]  }
0x2f: {  	lr =	sadd.s32 s0, s3;
	s0 =	sld [smem:$0x3FAB]  }
0x30: {  	s3 =	sld [smem:$0x3FAE]  }
0x31: {  	[smem:$0x3FB7] =	sst s10  }
0x32: {  	s10 =	sld [smem:$0x3FB5];
	_ =	sdelay $0x3  }
0x33: {  	p0 =	seq.s32 s10, $0x1;
	s10 =	sld [smem:$0x3FB7];
	_ =	sdelay $0x3  }
0x34: {  	[smem:$0x3FB7] =	sst s10  }
0x35: {  	s10 =	sld [smem:$0x3FB6];
	_ =	sdelay $0x3  }
0x36: {  	p1 =	seq.s32 s10, $0x1;
	s10 =	sld [smem:$0x3FB7];
	_ =	sdelay $0x3  }
0x37: {  	[smem:$0x3FB7] =	sst s10  }
0x38: {  	s10 =	sld [smem:$0x3FB8]  }
0x39: {  	_ = 	snop;
	(pc) =	sbr.ind lr, $3  }
0x3a: {  	_ = 	snop  }
0x3b: {  	_ = 	snop  }
0x3c: {  	p2 =	seq.s32 s10, $0x1;
	s10 =	sld [smem:$0x3FB7]  }
0x3d: {  	_ =	shalt  }
0x3e: {  	_ =	shalt  }
0x3f: {  	_ =	shalt  }
0x40: {  	_ =	shalt  }
0x41: {  	_ =	shalt  }
0x42: {  	_ =	shalt  }
0x43: {  	_ =	shalt  }
0x44: {  	_ =	shalt  }
0x45: {  	_ =	shalt  }
0x46: {  	_ =	shalt  }
0x47: {  	_ =	shalt  }
0x48: {  	_ =	shalt  }
0x49: {  	_ =	shalt  }
0x4a: {  	_ =	shalt  }
0x4b: {  	_ =	shalt  }
0x4c: {  	_ =	shalt  }
0x4d: {  	_ =	shalt  }
0x4e: {  	_ =	shalt  }
0x4f: {  	_ =	shalt  }
0x50: {  	_ =	shalt  }
0x51: {  	_ =	shalt  }
0x52: {  	_ =	shalt  }
0x53: {  	_ =	shalt  }
0x54: {  	_ =	shalt  }
0x55: {  	_ =	shalt  }
0x56: {  	_ =	shalt  }
0x57: {  	_ =	shalt  }
0x58: {  	_ =	shalt  }
0x59: {  	_ =	shalt  }
0x5a: {  	_ =	shalt  }
0x5b: {  	_ =	shalt  }
0x5c: {  	_ =	shalt  }
0x5d: {  	_ =	shalt  }
0x5e: {  	_ =	shalt  }
0x5f: {  	_ =	shalt  }
0x60: {  	_ =	shalt  }
0x61: {  	_ =	shalt  }
0x62: {  	_ =	shalt  }
0x63: {  	_ =	shalt  }
0x64: {  	_ =	shalt  }
0x65: {  	_ =	shalt  }
0x66: {  	_ =	shalt  }
0x67: {  	_ =	shalt  }
0x68: {  	_ =	shalt  }
0x69: {  	_ =	shalt  }
0x6a: {  	_ =	shalt  }
0x6b: {  	_ =	shalt  }
0x6c: {  	_ =	shalt  }
0x6d: {  	_ =	shalt  }
0x6e: {  	_ =	shalt  }
0x6f: {  	_ =	shalt  }
0x70: {  	_ =	shalt  }
0x71: {  	_ =	shalt  }
0x72: {  	_ =	shalt  }
0x73: {  	_ =	shalt  }
0x74: {  	_ =	shalt  }
0x75: {  	_ =	shalt  }
0x76: {  	_ =	shalt  }
0x77: {  	_ =	shalt  }
0x78: {  	_ =	shalt  }
0x79: {  	_ =	shalt  }
0x7a: {  	_ =	shalt  }
0x7b: {  	_ =	shalt  }
0x7c: {  	_ =	shalt  }
0x7d: {  	_ =	shalt  }
0x7e: {  	_ =	shalt  }
0x7f: {  	_ =	shalt  }
0x80: {  	_ =	shalt  }
0x81: {  	_ =	shalt  }
0x82: {  	_ =	shalt  }
0x83: {  	_ =	shalt  }
0x84: {  	_ =	shalt  }
0x85: {  	_ =	shalt  }
0x86: {  	_ =	shalt  }
0x87: {  	_ =	shalt  }
.Lfunc_end0:
.L_simem_size_0:
called_computation_lowered:
.L_overlay_start_0:
0x88: {  	s2 =	sld [smem:$0x3FD9]  }
0x89: {  	s3 =	sld [smem:$0x3FFE];
	_ =	sdelay $0x1  }
0x8a: {  	s1 =	srdreg.scid  }
0x8b: {  	s0 =	sand.u32 $0x1, s1  }
0x8c: {  	s14 =	sshll.u32 s0, $0xA;
	s2 =	sadd.s32 s3, s2  }
0x8d: {  	s2 =	sadd.s32 s2, s14  }
0x8e: {  	[smem:$0x3FC3] =	sst s2  }
0x8f: {  	_ = 	snop  }
0x90: {  	s2 =	sld [smem:$0x3FD0];
	_ =	sdelay $0x2  }
0x91: {  	s4 =	simm.s32 $0xA;
	s5 =	simm.s32 $0x10;
	s15 =	sld [smem:$0x3FC9]  }
0x92: {  	[smem:s5], [sflag:s4] =	dma.local [hbm:s2], $0x1  }
0x93: {  	_ =	swait.eq [sflag:s4], $0x1  }
0x94: {  	[sflag:s4] =	ssyncset.done $0x0  }
0x95: {  	[sflag:s4] =	ssyncadd.s32 $0xFFFFFFFF  }
0x96: {  	s16 =	sld [smem:$0x10];
	(tm) =	ssettm $0x1  }
0x97: {  	s17 =	sld [smem:$0x3FFB];
	_ =	sdelay $0x3  }
0x98: {  	_ =	strace s17  }
0x99: {  	s4 =	sld [smem:$0x3FFC];
	_ =	sdelay $0x3  }
0x9a: {  	_ =	strace s4  }
0x9b: {  	s4 =	sld [smem:$0x3FFD];
	_ =	sdelay $0x3  }
0x9c: {  	_ =	strace s4  }
0x9d: {  	_ =	strace $0x8FFFFFFF  }
0x9e: {  	s18 =	sld [smem:$0x3FDB];
	_ =	sdelay $0x1  }
0x9f: {  	s19 =	simm.s32 $_scs_section_size  }
0xa0: {  	s6 =	simm.s32 $_size__tile_overlayer_lowered;
	s7 =	simm.s32 $_tile_overlayer_lowered  }
0xa1: {  	s22 =	simm.s32 $0x1BFF;
	s21 =	sshll.u32 s7, $0x1;
	s4 =	sadd.s32 s19, s18  }
0xa2: {  	s8 =	simm.s32 $0x0;
	s20 =	sshll.u32 s6, $0x1;
	s6 =	sadd.s32 s21, s4  }
0xa3: {  	[timem:s8], [sflag:s22] =	dma.local [hbm:s6], s20  }
0xa4: {  	_ =	swait.ge [sflag:s22], s20  }
0xa5: {  	s5 =	ssub.s32 $0x0, s20;
	[sflag:s22] =	ssyncset.done $0x0  }
0xa6: {  	[sflag:s22] =	ssyncadd.s32 s5;
	_ =	sdelay $0x1  }
0xa7: {  	s23 =	simm.s32 $0x1B8B  }
0xa8: {  	_ =	swait.ge [sflag:s23], $0x1  }
0xa9: {  	[sflag:s23] =	ssyncset.done $0x0  }
0xaa: {  	s25 =	simm.s32 $0x1B8E;
	s24 =	sld [smem:$0x3FFE];
	[sflag:s23] =	ssyncadd.s32 $0xFFFFFFFF  }
0xab: {  	s26 =	simm.s32 $execute0_lowered;
	[smem:$0x3FD2] =	sst s25  }
0xac: {  	s6 =	sshll.u32 s26, $0x1;
	_ =	strace $0x80000046;
	[dreg:$0x1] =	wrdreg $0xFFFFFFFF  }
0xad: {  	s28 =	simm.s32 $_size_execute0_lowered;
	s4 =	sadd.s32 s4, s6;
	[dreg:$0x0] =	wrdreg $0x0  }
0xae: {  	s6 =	sshll.u32 s28, $0x1;
	[dreg:$0x2] =	wrdreg s4  }
0xaf: {  	[dreg:$0x3] =	wrdreg s6  }
0xb0: {  	[dreg:$0x4] =	wrdreg $0xC0  }
0xb1: {  	_ =	task [dreg:s8], $0x5FFFF  }
0xb2: {  	[dreg:$0x1] =	wrdreg $0xFFFFFFFF  }
0xb3: {  	[dreg:$0x0] =	wrdreg $0x60  }
0xb4: {  	[dreg:$0x2] =	wrdreg s15  }
0xb5: {  	[dreg:$0x3] =	wrdreg s24  }
0xb6: {  	[dreg:$0x4] =	wrdreg s16  }
0xb7: {  	[dreg:$0x5] =	wrdreg $0x9  }
0xb8: {  	_ =	task.clear_ibuf [dreg:s8], $0x6FFFF;
	_ =	strace $0x90000046  }
0xb9: {  	s29 =	simm.s32 $0x9;
	_ =	strace $0x80000048  }
0xba: {  	_ =	swait.ge [sflag:s29], $0x1  }
0xbb: {  	[sflag:s29] =	ssyncadd.s32 $0xFFFFFFFF  }
0xbc: {  	_ =	strace $0x90000048  }
0xbd: {  	_ =	sfence  }
0xbe: {  	s30 =	sld [smem:$0x0];
	_ =	sdelay $0x2  }
0xbf: {  	s31 =	sshll.u32 s1, $0xD;
	s1 =	sshrl.u32 s1, $0x2  }
0xc0: {  	s3 =	sand.u32 $0x4000, s31;
	s1 =	sadd.s32 s1, s30  }
0xc1: {  	s0 =	sor.u32 s3, s0;
	s1 =	sshll.u32 s1, $0x11  }
0xc2: {  	s0 =	sor.u32 s1, s0  }
0xc3: {  	s0 =	sadd.s32 $0x8F2B, s0  }
0xc4: {  	[sflag:s0] =	ssyncadd.remote.s32 $0x1  }
0xc5: {  	_ =	sfence.sel $0xFFFF  }
0xc6: {  	[dreg:$0x0] =	wrdreg $0xFFFFFFFF;
	(pc) =	sbr.abs _section_cstart, $3  }
0xc7: {  	[dreg:$0x1] =	wrdreg $0xFFFFFFFF  }
0xc8: {  	_ =	task.clear_ibuf [dreg:s8], $0x2FFFF;
	_ =	strace $0x9FFFFFFF  }
0xc9: {  	(tm) =	ssettm $0x7FFFFFFF  }
tec
execute0_lowered:
.L_overlay_start_1:
0x0: {  	(tag) =	ssettag $0x1  }
0x1: {  	s1 =	rddreg [dreg:$0x0];
	s2 =	srdreg.scid  }
0x2: {  	s4 =	rddreg [dreg:$0x1];
	s0 =	stileid.u32  }
0x3: {  	s6 =	rddreg [dreg:$0x2];
	s3 =	simm.s32 $0x0;
	s11 =	simm.s32 $0x80  }
0x4: {  	s12 =	simm.s32 $0x180;
	s13 =	simm.s32 $0x980;
	s14 =	simm.s32 $0x1180  }
0x5: {  	s15 =	simm.s32 $0x1980;
	s16 =	simm.s32 $0x2180;
	s17 =	simm.s32 $0x2980  }
0x6: {  	s18 =	simm.s32 $0x3180;
	s20 =	simm.s32 $0x4180;
	s21 =	simm.s32 $0x4980  }
0x7: {  	s22 =	simm.s32 $0x5180;
	s23 =	simm.s32 $0x5980;
	s24 =	simm.s32 $0x6180  }
0x8: {  	s28 =	simm.s32 $0x7980;
	s29 =	simm.s32 $0x1;
	s30 =	simm.s32 $0x2000  }
0x9: {  	s31 =	simm.s32 $0x4400;
	s5 =	sand.u32 $0x1, s2;
	s7 =	sshll.u32 s0, $0x3  }
0xa: {  	[smem:$0x7FF] =	sst s3;
	s26 =	sshll.u32 s0, $0xA;
	s8 =	sshll.u32 s5, $0x2  }
0xb: {  	s5 =	ssub.s32 $0x2, s5;
	_ =	strace $0x80000047;
	s19 =	sand.u32 $0x3800, s26  }
0xc: {  	s26 =	simm.s32 $0x7180;
	s7 =	sor.u32 s8, s7;
	s10 =	sshrl.u32 s5, $0x1  }
0xd: {  	v0 =	vmov s19;
	s19 =	simm.s32 $0x3980;
	s8 =	smul.u32 $0x880, s7;
	s9 =	sadd.s32 s7, s4  }
0xe: {  	s10 =	ssub.s32 s5, s10;
	s5 =	sadd.s32 $0x100, s1;
	s25 =	sadd.s32 $0x1000, s9  }
0xf: {  	v3 =	vlaneseq.u32;
	vm0 =	vmmov $0xffff;
	s9 =	smax.u32 s10, $0x1;
	s10 =	simm.s32 $0x2;
	s8 =	sadd.s32 s8, s4  }
0x10: {  	v1 =	vand.u32 $0x7, v3;
	v2 =	vshrl.u32 v3, $0x3;
	v0 =	vadd.s32 $0xFFFFFFFF, v0;
	[dreg:$0x4] =	wrdreg s25;
	s4 =	sadd.s32 s6, s7;
	s6 =	sadd.s32 $0x200, s1  }
0x11: {  	v3 =	vor.u32 $0x8, v3;
	v2 =	vmul.u32 $0x8, v2;
	v0 =	vbroadcast v0, $0x0;
	s7 =	sadd.s32 $0x300, s1;
	s25 =	simm.s32 $0x6980;
	s8 =	sadd.s32 $0x1200, s8  }
.LBB2_1:
0x12: {  	s2 =	rddreg [dreg:$0x4]  }
0x13: {  	[tilespmem:s3], [sflag:$0x2] =	stream.linear.gather [hbm4b:s2+s3], $0x20, $0x38;
	[tilespmem:$0x8180] =	vst v63  }
0x14: {  	_ =	swait.ge [sflag:s10], $0x20  }
0x15: {  	[sflag:s10] =	ssyncset.done $0x0  }
0x16: {  	[sflag:s10] =	ssyncadd.s32 $0xFFFFFFE0  }
0x17: {  	[tilespmem:s11], [sflag:$0x2] =	stream.linear.gather [hbm4b:s4+s3], $0x20, $0x38;
	[tilespmem:$0x8180] =	vst v63  }
0x18: {  	_ =	swait.ge [sflag:s10], $0x20  }
0x19: {  	[sflag:s10] =	ssyncset.done $0x0  }
0x1a: {  	[sflag:s10] =	ssyncadd.s32 $0xFFFFFFE0  }
0x1b: {  	v4 =	vld [tilespmem:$0x80];
	_ =	sdelay $0x4  }
0x1c: {  	v4 =	vadd.s32 v0, v4  }
0x1d: {  	v5 =	vshll.u32 v4, $0x3  }
0x1e: {  	v6 =	vand.u32 $0x7, v4;
	v5 =	vand.u32 $0xFFFFFFC0, v5  }
0x1f: {  	v5 =	vor.u32 v6, v5  }
0x20: {  	v63 =	vld [tilespmem:$0x90];
	v7 =	vperm.xlane v5, v1;
	_ =	sdelay $0x1  }
0x21: {  	v7 =	vadd.s32 v2, v7;
	_ =	sdelay $0x2  }
0x22: {  	[tilespmem:$0x100] =	vst v4;
	v4 =	vadd.s32 v0, v63  }
0x23: {  	[tilespmem:$0x110] =	vst v4  }
0x24: {  	[tilespmem:s12], [sflag:$0x1] =	stream.indirect_vreg.gather [hbm4b:s1+s3], $0x80, v7, vm0, $0xb8;
	[tilespmem:$0x8180] =	vst v63  }
0x25: {  	v4 =	vperm.xlane v5, v3  }
0x26: {  	[tilespmem:s13], [sflag:$0x1] =	stream.indirect_vreg.gather [hbm4b:s5+s3], $0x80, v7, vm0, $0xb8;
	[tilespmem:$0x8180] =	vst v63  }
0x27: {  	v4 =	vadd.s32 v2, v4  }
0x28: {  	[tilespmem:s14], [sflag:$0x1] =	stream.indirect_vreg.gather [hbm4b:s6+s3], $0x80, v7, vm0, $0xb8;
	[tilespmem:$0x8180] =	vst v63  }
0x29: {  	_ = 	snop  }
0x2a: {  	[tilespmem:s15], [sflag:$0x1] =	stream.indirect_vreg.gather [hbm4b:s7+s3], $0x80, v7, vm0, $0xb8;
	[tilespmem:$0x8180] =	vst v63  }
0x2b: {  	_ = 	snop  }
0x2c: {  	[tilespmem:s16], [sflag:$0x1] =	stream.indirect_vreg.gather [hbm4b:s1+s3], $0x80, v4, vm0, $0xb8;
	[tilespmem:$0x8180] =	vst v63  }
0x2d: {  	_ = 	snop  }
0x2e: {  	[tilespmem:s17], [sflag:$0x1] =	stream.indirect_vreg.gather [hbm4b:s5+s3], $0x80, v4, vm0, $0xb8;
	[tilespmem:$0x8180] =	vst v63  }
0x2f: {  	_ = 	snop  }
0x30: {  	[tilespmem:s18], [sflag:$0x1] =	stream.indirect_vreg.gather [hbm4b:s6+s3], $0x80, v4, vm0, $0xb8;
	[tilespmem:$0x8180] =	vst v63  }
0x31: {  	_ = 	snop  }
0x32: {  	[tilespmem:s19], [sflag:$0x1] =	stream.indirect_vreg.gather [hbm4b:s7+s3], $0x80, v4, vm0, $0xb8;
	[tilespmem:$0x8180] =	vst v63  }
0x33: {  	v4 =	vld [tilespmem:$0x110];
	_ =	sdelay $0x4  }
0x34: {  	v5 =	vshll.u32 v4, $0x3  }
0x35: {  	v4 =	vand.u32 $0x7, v4;
	v5 =	vand.u32 $0xFFFFFFC0, v5  }
0x36: {  	v4 =	vor.u32 v4, v5  }
0x37: {  	v5 =	vperm.xlane v4, v1;
	_ =	sdelay $0x1  }
0x38: {  	v5 =	vadd.s32 v2, v5;
	_ =	sdelay $0x4  }
0x39: {  	[tilespmem:s20], [sflag:$0x1] =	stream.indirect_vreg.gather [hbm4b:s1+s3], $0x80, v5, vm0, $0xb8;
	[tilespmem:$0x8180] =	vst v63  }
0x3a: {  	v4 =	vperm.xlane v4, v3  }
0x3b: {  	[tilespmem:s21], [sflag:$0x1] =	stream.indirect_vreg.gather [hbm4b:s5+s3], $0x80, v5, vm0, $0xb8;
	[tilespmem:$0x8180] =	vst v63  }
0x3c: {  	v4 =	vadd.s32 v2, v4  }
0x3d: {  	[tilespmem:s22], [sflag:$0x1] =	stream.indirect_vreg.gather [hbm4b:s6+s3], $0x80, v5, vm0, $0xb8;
	[tilespmem:$0x8180] =	vst v63  }
0x3e: {  	_ = 	snop  }
0x3f: {  	[tilespmem:s23], [sflag:$0x1] =	stream.indirect_vreg.gather [hbm4b:s7+s3], $0x80, v5, vm0, $0xb8;
	[tilespmem:$0x8180] =	vst v63  }
0x40: {  	_ = 	snop  }
0x41: {  	[tilespmem:s24], [sflag:$0x1] =	stream.indirect_vreg.gather [hbm4b:s1+s3], $0x80, v4, vm0, $0xb8;
	[tilespmem:$0x8180] =	vst v63  }
0x42: {  	_ = 	snop  }
0x43: {  	[tilespmem:s25], [sflag:$0x1] =	stream.indirect_vreg.gather [hbm4b:s5+s3], $0x80, v4, vm0, $0xb8;
	[tilespmem:$0x8180] =	vst v63  }
0x44: {  	_ = 	snop  }
0x45: {  	[tilespmem:s26], [sflag:$0x1] =	stream.indirect_vreg.gather [hbm4b:s6+s3], $0x80, v4, vm0, $0xb8;
	[tilespmem:$0x8180] =	vst v63  }
0x46: {  	_ = 	snop  }
0x47: {  	[tilespmem:s28], [sflag:$0x1] =	stream.indirect_vreg.gather [hbm4b:s7+s3], $0x80, v4, vm0, $0xb8;
	[tilespmem:$0x8180] =	vst v63  }
0x48: {  	_ =	swait.ge [sflag:s29], $0x8000  }
0x49: {  	p0 =	sne.s32 s9, $0x1;
	[sflag:s29] =	ssyncset.done $0x0  }
.Ltmp0:
0x4a: {  	[sflag:s29] =	ssyncadd.s32 $0xFFFF8000;
	(pc) =	sbr.rel @p0 .LBB2_1-.Ltmp0, $4  }
0x4b: {  	[hbm4b:s8+s30] =	stream.strided.scatter [tilespmem:s12], [sflag:$0x2], $0x8000, s31, s30, $0x38;
	[tilespmem:$0x8180] =	vst v63  }
0x4c: {  	_ =	swait.ge [sflag:s10], $0x8000  }
0x4d: {  	[sflag:s10] =	ssyncset.done $0x0  }
0x4e: {  	s9 =	sadd.s32 $0xFFFFFFFF, s9;
	[sflag:s10] =	ssyncadd.s32 $0xFFFF8000  }
0x4f: {  	_ =	sfence.sel $0x180000  }
0x50: {  	[bflag:$0x0] =	sbarrier.arrive $0xFFFF  }
0x51: {  	_ =	strace $0x90000047  }
0x52: {  	[bflag:$0x2] =	sbarrier.arrive $0xFFFF  }
0x53: {  	p0 =	sne.s32 s0, $0x0;
	s0 =	rddreg [dreg:$0x3]  }
0x54: {  	s0 =	sadd.s32 @!p0 $0x100000, s0  }
0x55: {  	[sflag:s0] =	ssyncadd.tile.s32 @!p0 $0x1;
	_ =	shalt  }
.Lfunc_end2:
_tile_overlayer_lowered:
.L_overlay_start_2:
0x56: {  	(tag) =	ssettag $0x2  }
0x57: {  	s0 =	rddreg [dreg:$0x0];
	s2 =	stileid.u32  }
0x58: {  	s1 =	rddreg [dreg:$0x1];
	p0 =	sne.s32 s2, $0x0  }
0x59: {  	s3 =	rddreg [dreg:$0x2];
	[bflag:$0x3] =	sbarrier.arrive $0xFFFF;
	s2 =	simm.s32 @!p0 $0x1C02  }
0x5a: {  	[timem:s3], [sflag:s2] =	dma.local @!p0 [hbm:s0], s1  }
0x5b: {  	s0 =	simm.s32 @!p0 $0x2  }
0x5c: {  	_ =	swait.ge @!p0 [sflag:s0], s1  }
0x5d: {  	s1 =	ssub.s32 @!p0 $0x0, s1;
	[sflag:s0] =	ssyncset.done @!p0 $0x0  }
0x5e: {  	[sflag:s0] =	ssyncadd.s32 @!p0 s1  }
0x5f: {  	[bflag:$0x3] =	sbarrier.arrive $0xFFFF  }
0x60: {  	_ =	shalt  }

</sc_bundles>
